<compile_context>
chip_gen: v7x
topology: tpu7x:2x2x1
jax: 0.10.2.dev20260603
libtpu: 0.0.44.dev20260713+nightly
codegen_flags: <defaults>
</compile_context>

<pallas_src>
import functools

import jax
import jax.numpy as jnp
from jax import lax
from jax.experimental import pallas as pl
from jax.experimental.pallas import tpu as pltpu
from jax.experimental.pallas import tpu_sc as plsc


def _sc_gather(n, D, chunk):
    info = plsc.get_sparse_core_info()
    nw = info.num_cores * info.num_subcores
    b_per_w = n // nw
    n_chunks = b_per_w // chunk
    assert n_chunks % 2 == 0
    mesh = plsc.VectorSubcoreMesh(core_axis_name="c", subcore_axis_name="s")

    @functools.partial(
        pl.kernel,
        out_type=jax.ShapeDtypeStruct((n, D), jnp.float32),
        mesh=mesh,
        scratch_types=[
            pltpu.VMEM((b_per_w,), jnp.int32),
            pltpu.VMEM((chunk, D), jnp.float32),
            pltpu.VMEM((chunk, D), jnp.float32),
            pltpu.SemaphoreType.DMA,
            pltpu.SemaphoreType.DMA,
        ],
    )
    def gather_kernel(pos_hbm, pe_hbm, out_hbm, idx_v, rows0, rows1, sem0, sem1):
        wid = lax.axis_index("s") * info.num_cores + lax.axis_index("c")
        base = wid * b_per_w
        pltpu.sync_copy(pos_hbm.at[pl.ds(base, b_per_w)], idx_v)

        bufs = (rows0, rows1)
        sems = (sem0, sem1)

        def start_gather(c, b):
            pltpu.make_async_copy(
                pe_hbm.at[idx_v.at[pl.ds(c * chunk, chunk)]], bufs[b], sems[b]
            ).start()

        def wait_gather(b):
            pltpu.make_async_copy(
                pe_hbm.at[idx_v.at[pl.ds(0, chunk)]], bufs[b], sems[b]
            ).wait()

        start_gather(0, 0)

        @pl.loop(0, n_chunks, step=2)
        def _pair(c0):
            start_gather(c0 + 1, 1)
            wait_gather(0)
            pltpu.sync_copy(bufs[0], out_hbm.at[pl.ds(base + c0 * chunk, chunk)])

            @pl.when(c0 + 2 < n_chunks)
            def _():
                start_gather(c0 + 2, 0)

            wait_gather(1)
            pltpu.sync_copy(
                bufs[1], out_hbm.at[pl.ds(base + (c0 + 1) * chunk, chunk)]
            )

    return gather_kernel


def kernel(positions, pe):
    B, S = positions.shape
    V, D = pe.shape
    n = B * S
    out = _sc_gather(n, D, chunk=16)(positions.reshape(n), pe)
    return out.reshape(B, S, D)

# --- scband reference (transcript-rebuilt; emitter-appended) ---
"""Pipeline reference for scband-sinusoidal-position-encoding-59167469469772 (READ-ONLY COPY).

The authoritative reference and input builder live on the scoring server;
editing this copy changes nothing except your own understanding.
"""

import jax, jax.numpy as jnp
import numpy as np
import math

BLOCK_SIZE = 8192
N_EMBD = 2048
BATCH = 4
SEQ = 8192


def _build_pe(block_size, n_embd):
    position = jnp.arange(0, block_size, dtype=jnp.float32)[:, None]
    div_term = jnp.exp(jnp.arange(0, n_embd, 2, dtype=jnp.float32) * -(math.log(10000.0) / n_embd))
    pe = jnp.zeros((block_size, n_embd), dtype=jnp.float32)
    pe = pe.at[:, 0::2].set(jnp.sin(position * div_term))
    pe = pe.at[:, 1::2].set(jnp.cos(position * div_term))
    return pe


def setup_inputs(seed: int = 0) -> dict:
    key = jax.random.key(seed)
    positions = jax.random.randint(jax.random.fold_in(key, 1), (BATCH, SEQ), 0, BLOCK_SIZE, dtype=jnp.int32)
    pe = _build_pe(BLOCK_SIZE, N_EMBD)
    return {"positions": positions, "pe": pe}


def reference(positions, pe):
    # Faithful translation of SinusoidalPositionEncoding.forward: self.pe[positions]
    return jnp.take(pe, positions, axis=0)

if __name__ == "__main__":
    import jax
    _d = setup_inputs()
    print(jax.jit(kernel)(*tuple(_d.values())))

</pallas_src>

<mosaic_0001>
#map = affine_map<(d0, d1) -> (0)>
#map1 = affine_map<(d0, d1) -> (0, 0)>
module attributes {stable_mosaic.version = 14 : i64} {
  func.func @gather_kernel(%arg0: i32, %arg1: i32, %arg2: memref<32768xi32, #tpu.memory_space<hbm>>, %arg3: memref<8192x2048xf32, #tpu.memory_space<hbm>>, %arg4: memref<32768x2048xf32, #tpu.memory_space<hbm>>, %arg5: memref<1024xi32, #tpu.memory_space<vmem>>, %arg6: memref<16x2048xf32, #tpu.memory_space<vmem>>, %arg7: memref<16x2048xf32, #tpu.memory_space<vmem>>, %arg8: memref<!tpu.dma_semaphore, #tpu.memory_space<semaphore_mem>>, %arg9: memref<!tpu.dma_semaphore, #tpu.memory_space<semaphore_mem>>) attributes {dimension_semantics = [#tpu.dimension_semantics<core_parallel>, #tpu.dimension_semantics<subcore_parallel>], iteration_bounds = array<i64: 2, 16>, scalar_prefetch = 0 : i64, scratch_operands = 5 : i64, tpu.core_type = #tpu.core_type<sc_vector_subcore>, window_params = [{transform_indices = #map}, {transform_indices = #map1}, {transform_indices = #map1}]} {
    %mul3A = arith.constant 2 : i32
    %mul3A_0 = arith.muli %arg1, %mul3A : i32
    %add3A = arith.addi %mul3A_0, %arg0 : i32
    %mul3A_1 = arith.constant 1024 : i32
    %mul3A_2 = arith.muli %add3A, %mul3A_1 : i32
    "tpu.region"() ({
      %run_scoped3A = tpu.sem_alloc : memref<!tpu.dma_semaphore, #tpu.memory_space<semaphore_mem>>
      %dma_start3A_11 = tpu.memref_slice %arg2[%mul3A_2] : memref<32768xi32, #tpu.memory_space<hbm>> -> memref<1024xi32, #tpu.memory_space<hbm>>
      %dma_start3A_12 = tpu.memref_slice %arg2[%mul3A_2] : memref<32768xi32, #tpu.memory_space<hbm>> -> memref<1024xi32, #tpu.memory_space<hbm>>
      tpu.enqueue_dma source(%dma_start3A_12 : memref<1024xi32, #tpu.memory_space<hbm>>) target(%arg5 : memref<1024xi32, #tpu.memory_space<vmem>>) target_semaphore(%run_scoped3A : memref<!tpu.dma_semaphore, #tpu.memory_space<semaphore_mem>>)
      %dma_wait3A = tpu.memref_slice %arg2[%mul3A_2] : memref<32768xi32, #tpu.memory_space<hbm>> -> memref<1024xi32, #tpu.memory_space<hbm>>
      %dma_wait3A_13 = tpu.memref_slice %arg2[%mul3A_2] : memref<32768xi32, #tpu.memory_space<hbm>> -> memref<1024xi32, #tpu.memory_space<hbm>>
      tpu.wait_dma2 semaphore(%run_scoped3A : memref<!tpu.dma_semaphore, #tpu.memory_space<semaphore_mem>>) src(%dma_wait3A_13 : memref<1024xi32, #tpu.memory_space<hbm>>) dst(%arg5 : memref<1024xi32, #tpu.memory_space<vmem>>)
      tpu.yield
    }) : () -> ()
    %dma_start3A = arith.constant 0 : i32
    %dma_start3A_3 = tpu.memref_slice %arg5[%dma_start3A] : memref<1024xi32, #tpu.memory_space<vmem>> -> memref<16xi32, #tpu.memory_space<vmem>>
    %dma_start3A_4 = arith.constant 0 : i32
    %dma_start3A_5 = arith.constant 0 : i32
    %dma_start3A_6 = tpu.memref_slice %arg3[%dma_start3A_4, %dma_start3A_5] : memref<8192x2048xf32, #tpu.memory_space<hbm>> -> memref<8192x2048xf32, #tpu.memory_space<hbm>>
    tpu.enqueue_indirect_dma source(%dma_start3A_6 : memref<8192x2048xf32, #tpu.memory_space<hbm>>) target(%arg6 : memref<16x2048xf32, #tpu.memory_space<vmem>>) offsets(%dma_start3A_3 : memref<16xi32, #tpu.memory_space<vmem>>) semaphore(%arg8 : memref<!tpu.dma_semaphore, #tpu.memory_space<semaphore_mem>>)
    %scan3A = arith.constant 0 : i32
    %scan3A_7 = arith.constant 32 : i32
    %scan3A_8 = arith.addi %scan3A, %scan3A_7 : i32
    %scan3A_9 = arith.constant 1 : i32
    scf.for %scan3A_11 = %scan3A to %scan3A_8 step %scan3A_9  : i32 {
      %mul3A_12 = arith.constant 2 : i32
      %mul3A_13 = arith.muli %scan3A_11, %mul3A_12 : i32
      %add3A_14 = arith.constant 0 : i32
      %add3A_15 = arith.addi %add3A_14, %mul3A_13 : i32
      %add3A_16 = arith.constant 1 : i32
      %add3A_17 = arith.addi %add3A_15, %add3A_16 : i32
      %mul3A_18 = arith.constant 16 : i32
      %mul3A_19 = arith.muli %add3A_17, %mul3A_18 : i32
      %dma_start3A_20 = tpu.memref_slice %arg5[%mul3A_19] : memref<1024xi32, #tpu.memory_space<vmem>> -> memref<16xi32, #tpu.memory_space<vmem>>
      %dma_start3A_21 = arith.constant 0 : i32
      %dma_start3A_22 = arith.constant 0 : i32
      %dma_start3A_23 = tpu.memref_slice %arg3[%dma_start3A_21, %dma_start3A_22] : memref<8192x2048xf32, #tpu.memory_space<hbm>> -> memref<8192x2048xf32, #tpu.memory_space<hbm>>
      tpu.enqueue_indirect_dma source(%dma_start3A_23 : memref<8192x2048xf32, #tpu.memory_space<hbm>>) target(%arg7 : memref<16x2048xf32, #tpu.memory_space<vmem>>) offsets(%dma_start3A_20 : memref<16xi32, #tpu.memory_space<vmem>>) semaphore(%arg9 : memref<!tpu.dma_semaphore, #tpu.memory_space<semaphore_mem>>)
      %dma_wait3A = arith.constant 0 : i32
      %dma_wait3A_24 = tpu.memref_slice %arg5[%dma_wait3A] : memref<1024xi32, #tpu.memory_space<vmem>> -> memref<16xi32, #tpu.memory_space<vmem>>
      %dma_wait3A_25 = arith.constant 0 : i32
      %dma_wait3A_26 = arith.constant 0 : i32
      %dma_wait3A_27 = tpu.memref_slice %arg3[%dma_wait3A_25, %dma_wait3A_26] : memref<8192x2048xf32, #tpu.memory_space<hbm>> -> memref<8192x2048xf32, #tpu.memory_space<hbm>>
      tpu.wait_indirect_dma semaphore(%arg8 : memref<!tpu.dma_semaphore, #tpu.memory_space<semaphore_mem>>) src(%dma_wait3A_27 : memref<8192x2048xf32, #tpu.memory_space<hbm>>) dst(%arg6 : memref<16x2048xf32, #tpu.memory_space<vmem>>)
      %mul3A_28 = arith.constant 16 : i32
      %mul3A_29 = arith.muli %add3A_15, %mul3A_28 : i32
      %add3A_30 = arith.addi %mul3A_2, %mul3A_29 : i32
      "tpu.region"() ({
        %run_scoped3A = tpu.sem_alloc : memref<!tpu.dma_semaphore, #tpu.memory_space<semaphore_mem>>
        %dma_start3A_45 = arith.constant 0 : i32
        %dma_start3A_46 = tpu.memref_slice %arg4[%add3A_30, %dma_start3A_45] : memref<32768x2048xf32, #tpu.memory_space<hbm>> -> memref<16x2048xf32, #tpu.memory_space<hbm>>
        %dma_start3A_47 = arith.constant 0 : i32
        %dma_start3A_48 = tpu.memref_slice %arg4[%add3A_30, %dma_start3A_47] : memref<32768x2048xf32, #tpu.memory_space<hbm>> -> memref<16x2048xf32, #tpu.memory_space<hbm>>
        tpu.enqueue_dma source(%arg6 : memref<16x2048xf32, #tpu.memory_space<vmem>>) target(%dma_start3A_48 : memref<16x2048xf32, #tpu.memory_space<hbm>>) target_semaphore(%run_scoped3A : memref<!tpu.dma_semaphore, #tpu.memory_space<semaphore_mem>>)
        %dma_wait3A_49 = arith.constant 0 : i32
        %dma_wait3A_50 = tpu.memref_slice %arg4[%add3A_30, %dma_wait3A_49] : memref<32768x2048xf32, #tpu.memory_space<hbm>> -> memref<16x2048xf32, #tpu.memory_space<hbm>>
        %dma_wait3A_51 = arith.constant 0 : i32
        %dma_wait3A_52 = tpu.memref_slice %arg4[%add3A_30, %dma_wait3A_51] : memref<32768x2048xf32, #tpu.memory_space<hbm>> -> memref<16x2048xf32, #tpu.memory_space<hbm>>
        tpu.wait_dma2 semaphore(%run_scoped3A : memref<!tpu.dma_semaphore, #tpu.memory_space<semaphore_mem>>) src(%arg6 : memref<16x2048xf32, #tpu.memory_space<vmem>>) dst(%dma_wait3A_52 : memref<16x2048xf32, #tpu.memory_space<hbm>>)
        tpu.yield
      }) : () -> ()
      %add3A_31 = arith.constant 2 : i32
      %add3A_32 = arith.addi %add3A_15, %add3A_31 : i32
      %lt3A = arith.constant 64 : i32
      %lt3A_33 = arith.cmpi slt, %add3A_32, %lt3A : i32
      %convert_element_type3A = arith.extui %lt3A_33 : i1 to i32
      %cond3A = arith.constant 0 : i32
      %cond3A_34 = arith.cmpi ne, %convert_element_type3A, %cond3A : i32
      scf.if %cond3A_34 {
        %add3A_45 = arith.constant 2 : i32
        %add3A_46 = arith.addi %add3A_15, %add3A_45 : i32
        %mul3A_47 = arith.constant 16 : i32
        %mul3A_48 = arith.muli %add3A_46, %mul3A_47 : i32
        %dma_start3A_49 = tpu.memref_slice %arg5[%mul3A_48] : memref<1024xi32, #tpu.memory_space<vmem>> -> memref<16xi32, #tpu.memory_space<vmem>>
        %dma_start3A_50 = arith.constant 0 : i32
        %dma_start3A_51 = arith.constant 0 : i32
        %dma_start3A_52 = tpu.memref_slice %arg3[%dma_start3A_50, %dma_start3A_51] : memref<8192x2048xf32, #tpu.memory_space<hbm>> -> memref<8192x2048xf32, #tpu.memory_space<hbm>>
        tpu.enqueue_indirect_dma source(%dma_start3A_52 : memref<8192x2048xf32, #tpu.memory_space<hbm>>) target(%arg6 : memref<16x2048xf32, #tpu.memory_space<vmem>>) offsets(%dma_start3A_49 : memref<16xi32, #tpu.memory_space<vmem>>) semaphore(%arg8 : memref<!tpu.dma_semaphore, #tpu.memory_space<semaphore_mem>>)
      } else {
      }
      %dma_wait3A_35 = arith.constant 0 : i32
      %dma_wait3A_36 = tpu.memref_slice %arg5[%dma_wait3A_35] : memref<1024xi32, #tpu.memory_space<vmem>> -> memref<16xi32, #tpu.memory_space<vmem>>
      %dma_wait3A_37 = arith.constant 0 : i32
      %dma_wait3A_38 = arith.constant 0 : i32
      %dma_wait3A_39 = tpu.memref_slice %arg3[%dma_wait3A_37, %dma_wait3A_38] : memref<8192x2048xf32, #tpu.memory_space<hbm>> -> memref<8192x2048xf32, #tpu.memory_space<hbm>>
      tpu.wait_indirect_dma semaphore(%arg9 : memref<!tpu.dma_semaphore, #tpu.memory_space<semaphore_mem>>) src(%dma_wait3A_39 : memref<8192x2048xf32, #tpu.memory_space<hbm>>) dst(%arg7 : memref<16x2048xf32, #tpu.memory_space<vmem>>)
      %add3A_40 = arith.constant 1 : i32
      %add3A_41 = arith.addi %add3A_15, %add3A_40 : i32
      %mul3A_42 = arith.constant 16 : i32
      %mul3A_43 = arith.muli %add3A_41, %mul3A_42 : i32
      %add3A_44 = arith.addi %mul3A_2, %mul3A_43 : i32
      "tpu.region"() ({
        %run_scoped3A = tpu.sem_alloc : memref<!tpu.dma_semaphore, #tpu.memory_space<semaphore_mem>>
        %dma_start3A_45 = arith.constant 0 : i32
        %dma_start3A_46 = tpu.memref_slice %arg4[%add3A_44, %dma_start3A_45] : memref<32768x2048xf32, #tpu.memory_space<hbm>> -> memref<16x2048xf32, #tpu.memory_space<hbm>>
        %dma_start3A_47 = arith.constant 0 : i32
        %dma_start3A_48 = tpu.memref_slice %arg4[%add3A_44, %dma_start3A_47] : memref<32768x2048xf32, #tpu.memory_space<hbm>> -> memref<16x2048xf32, #tpu.memory_space<hbm>>
        tpu.enqueue_dma source(%arg7 : memref<16x2048xf32, #tpu.memory_space<vmem>>) target(%dma_start3A_48 : memref<16x2048xf32, #tpu.memory_space<hbm>>) target_semaphore(%run_scoped3A : memref<!tpu.dma_semaphore, #tpu.memory_space<semaphore_mem>>)
        %dma_wait3A_49 = arith.constant 0 : i32
        %dma_wait3A_50 = tpu.memref_slice %arg4[%add3A_44, %dma_wait3A_49] : memref<32768x2048xf32, #tpu.memory_space<hbm>> -> memref<16x2048xf32, #tpu.memory_space<hbm>>
        %dma_wait3A_51 = arith.constant 0 : i32
        %dma_wait3A_52 = tpu.memref_slice %arg4[%add3A_44, %dma_wait3A_51] : memref<32768x2048xf32, #tpu.memory_space<hbm>> -> memref<16x2048xf32, #tpu.memory_space<hbm>>
        tpu.wait_dma2 semaphore(%run_scoped3A : memref<!tpu.dma_semaphore, #tpu.memory_space<semaphore_mem>>) src(%arg7 : memref<16x2048xf32, #tpu.memory_space<vmem>>) dst(%dma_wait3A_52 : memref<16x2048xf32, #tpu.memory_space<hbm>>)
        tpu.yield
      }) : () -> ()
    }
    %scan3A_10 = arith.constant 32 : i32
    return
  }
}

</mosaic_0001>

<sc_bundles>
// kernel: kernel.3.cloned.1.call-start
scs
__scs_entry_jumppad:
0x0: {  	(pc) =	sbr.rel $0x88, $3  }
0x1: {  	(tag) =	ssettag $0x0;
	lr =	simm.s32 $0x1  }
0x2: {  	[smem:$0x3F9F] =	sst lr;
	_ =	strace $0xD0000000  }
0x3: {  	_ = 	snop  }
0x4: {  	_ = 	snop  }
0x5: {  	_ = 	snop  }
0x6: {  	_ = 	snop  }
0x7: {  	_ = 	snop  }
__scs_overlays_trampoline_lowered:
0x8: {  	[smem:$0x3FAE] =	sst s0  }
0x9: {  	[smem:$0x3FAF] =	sst s1  }
0xa: {  	[smem:$0x3FB0] =	sst s2  }
0xb: {  	[smem:$0x3FB1] =	sst s3  }
0xc: {  	[smem:$0x3FB2] =	sst s4  }
0xd: {  	[smem:$0x3FB3] =	sst s5  }
0xe: {  	[smem:$0x3FB4] =	sst s6  }
0xf: {  	[smem:$0x3FB5] =	sst s7  }
0x10: {  	[smem:$0x3FB6] =	sst s8  }
0x11: {  	[smem:$0x3FB7] =	sst s9;
	s0 =	simm.s32 @!p0 $0x0  }
0x12: {  	s1 =	sld [smem:$0x3F9D];
	s0 =	simm.s32 @p0 $0x1  }
0x13: {  	[smem:$0x3FB8] =	sst s0;
	s0 =	simm.s32 @!p1 $0x0  }
0x14: {  	s2 =	sld [smem:$0x3F9C];
	s0 =	simm.s32 @p1 $0x1  }
0x15: {  	[smem:$0x3FB9] =	sst s0;
	s0 =	simm.s32 @!p2 $0x0  }
0x16: {  	s3 =	sld [smem:$0x3FDB];
	s0 =	simm.s32 @p2 $0x1  }
0x17: {  	s4 =	simm.s32 $0x1BF5;
	[smem:$0x3FBB] =	sst s0  }
0x18: {  	s0 =	sld [smem:$0x3F9E];
	_ =	swait.ge [sflag:s4], $0x0  }
0x19: {  	s7 =	sld [smem:$0x3F9F]  }
0x1a: {  	s8 =	sadd.s32 $0xFFFFE003, lr  }
0x1b: {  	s9 =	sadd.s32 $0xFFFFFEF7, lr;
	s5 =	simm.s32 $0xFFFFFFFF;
	p2 =	slt.u32 s8, $0xFFFFF086  }
0x1c: {  	p1 =	slt.u32 s9, $0xF7A;
	s5 =	simm.s32 @!p2 $0x0  }
0x1d: {  	s5 =	simm.s32 @p1 $0x1;
	p0 =	seq.s32 s7, s2  }
0x1e: {  	s7 =	smul.u32 @!p0 $0xF7A, s2;
	p2 =	seq.s32 @!p0 s5, $0x0  }
0x1f: {  	s9 =	smul.u32 $0xF7A, s1;
	s8 =	simm.s32 @!p0 $0x1BF5;
	p2 =	por !p2, p0  }
0x20: {  	[sflag:s8] =	ssyncset.s32 @!p0 $0xFFFFF086;
	s6 =	sadd.s32 @!p0 s3, s7;
	s7 =	simm.s32 @!p0 $0x108  }
0x21: {  	s3 =	sadd.s32 s3, s9;
	s6 =	sadd.s32 @!p0 $0x88, s6;
	s7 =	simm.s32 @p2 $0x1082  }
0x22: {  	[simem:s7], [sflag:s8] =	dma.local @!p0 [hbm:s6], $0xF7A  }
0x23: {  	s9 =	sor.u32 $0xD0000000, s2;
	s6 =	simm.s32 $0x108;
	_ =	swait.ge @!p0 [sflag:s8], $0x0  }
0x24: {  	s3 =	sadd.s32 $0x88, s3;
	s6 =	simm.s32 @!p1 $0x1082;
	[sflag:s4] =	ssyncset.s32 $0xFFFFF086  }
0x25: {  	[simem:s6], [sflag:s4] =	dma.local [hbm:s3], $0xF7A  }
0x26: {  	[smem:$0x3F9F] =	sst s1;
	(tag) =	ssettag s2;
	_ =	strace s9  }
0x27: {  	s1 =	sld [smem:$0x3FAF]  }
0x28: {  	s2 =	sld [smem:$0x3FB0]  }
0x29: {  	s4 =	sld [smem:$0x3FB2]  }
0x2a: {  	p0 =	seq.s32 s5, $0x0;
	s5 =	sld [smem:$0x3FB3]  }
0x2b: {  	s6 =	sld [smem:$0x3FB4]  }
0x2c: {  	s7 =	sld [smem:$0x3FB5]  }
0x2d: {  	s3 =	simm.s32 $0x108;
	s8 =	sld [smem:$0x3FB6]  }
0x2e: {  	s3 =	simm.s32 @!p0 $0x1082;
	s9 =	sld [smem:$0x3FB7]  }
0x2f: {  	lr =	sadd.s32 s0, s3;
	s0 =	sld [smem:$0x3FAE]  }
0x30: {  	s3 =	sld [smem:$0x3FB1]  }
0x31: {  	[smem:$0x3FBA] =	sst s10  }
0x32: {  	s10 =	sld [smem:$0x3FB8];
	_ =	sdelay $0x3  }
0x33: {  	p0 =	seq.s32 s10, $0x1;
	s10 =	sld [smem:$0x3FBA];
	_ =	sdelay $0x3  }
0x34: {  	[smem:$0x3FBA] =	sst s10  }
0x35: {  	s10 =	sld [smem:$0x3FB9];
	_ =	sdelay $0x3  }
0x36: {  	p1 =	seq.s32 s10, $0x1;
	s10 =	sld [smem:$0x3FBA];
	_ =	sdelay $0x3  }
0x37: {  	[smem:$0x3FBA] =	sst s10  }
0x38: {  	s10 =	sld [smem:$0x3FBB]  }
0x39: {  	_ = 	snop;
	(pc) =	sbr.ind lr, $3  }
0x3a: {  	_ = 	snop  }
0x3b: {  	_ = 	snop  }
0x3c: {  	p2 =	seq.s32 s10, $0x1;
	s10 =	sld [smem:$0x3FBA]  }
0x3d: {  	_ =	shalt  }
0x3e: {  	_ =	shalt  }
0x3f: {  	_ =	shalt  }
0x40: {  	_ =	shalt  }
0x41: {  	_ =	shalt  }
0x42: {  	_ =	shalt  }
0x43: {  	_ =	shalt  }
0x44: {  	_ =	shalt  }
0x45: {  	_ =	shalt  }
0x46: {  	_ =	shalt  }
0x47: {  	_ =	shalt  }
0x48: {  	_ =	shalt  }
0x49: {  	_ =	shalt  }
0x4a: {  	_ =	shalt  }
0x4b: {  	_ =	shalt  }
0x4c: {  	_ =	shalt  }
0x4d: {  	_ =	shalt  }
0x4e: {  	_ =	shalt  }
0x4f: {  	_ =	shalt  }
0x50: {  	_ =	shalt  }
0x51: {  	_ =	shalt  }
0x52: {  	_ =	shalt  }
0x53: {  	_ =	shalt  }
0x54: {  	_ =	shalt  }
0x55: {  	_ =	shalt  }
0x56: {  	_ =	shalt  }
0x57: {  	_ =	shalt  }
0x58: {  	_ =	shalt  }
0x59: {  	_ =	shalt  }
0x5a: {  	_ =	shalt  }
0x5b: {  	_ =	shalt  }
0x5c: {  	_ =	shalt  }
0x5d: {  	_ =	shalt  }
0x5e: {  	_ =	shalt  }
0x5f: {  	_ =	shalt  }
0x60: {  	_ =	shalt  }
0x61: {  	_ =	shalt  }
0x62: {  	_ =	shalt  }
0x63: {  	_ =	shalt  }
0x64: {  	_ =	shalt  }
0x65: {  	_ =	shalt  }
0x66: {  	_ =	shalt  }
0x67: {  	_ =	shalt  }
0x68: {  	_ =	shalt  }
0x69: {  	_ =	shalt  }
0x6a: {  	_ =	shalt  }
0x6b: {  	_ =	shalt  }
0x6c: {  	_ =	shalt  }
0x6d: {  	_ =	shalt  }
0x6e: {  	_ =	shalt  }
0x6f: {  	_ =	shalt  }
0x70: {  	_ =	shalt  }
0x71: {  	_ =	shalt  }
0x72: {  	_ =	shalt  }
0x73: {  	_ =	shalt  }
0x74: {  	_ =	shalt  }
0x75: {  	_ =	shalt  }
0x76: {  	_ =	shalt  }
0x77: {  	_ =	shalt  }
0x78: {  	_ =	shalt  }
0x79: {  	_ =	shalt  }
0x7a: {  	_ =	shalt  }
0x7b: {  	_ =	shalt  }
0x7c: {  	_ =	shalt  }
0x7d: {  	_ =	shalt  }
0x7e: {  	_ =	shalt  }
0x7f: {  	_ =	shalt  }
0x80: {  	_ =	shalt  }
0x81: {  	_ =	shalt  }
0x82: {  	_ =	shalt  }
0x83: {  	_ =	shalt  }
0x84: {  	_ =	shalt  }
0x85: {  	_ =	shalt  }
0x86: {  	_ =	shalt  }
0x87: {  	_ =	shalt  }
.Lfunc_end0:
.L_simem_size_0:
called_computation_lowered:
.L_overlay_start_0:
0x88: {  	s2 =	sld [smem:$0x3FD9]  }
0x89: {  	s3 =	sld [smem:$0x3FFE];
	_ =	sdelay $0x1  }
0x8a: {  	s1 =	srdreg.scid  }
0x8b: {  	s0 =	sand.u32 $0x1, s1  }
0x8c: {  	s17 =	sshll.u32 s0, $0xA;
	s2 =	sadd.s32 s3, s2  }
0x8d: {  	s2 =	sadd.s32 s2, s17  }
0x8e: {  	[smem:$0x3FC6] =	sst s2  }
0x8f: {  	_ = 	snop  }
0x90: {  	s2 =	sld [smem:$0x3FC8]  }
0x91: {  	s18 =	sld [smem:$0x3FD0];
	(tm) =	ssettm $0x1  }
0x92: {  	s4 =	sld [smem:$0x3FFB];
	_ =	sdelay $0x3  }
0x93: {  	_ =	strace s4  }
0x94: {  	s4 =	sld [smem:$0x3FFC];
	_ =	sdelay $0x3  }
0x95: {  	_ =	strace s4  }
0x96: {  	s4 =	sld [smem:$0x3FFD];
	_ =	sdelay $0x3  }
0x97: {  	_ =	strace s4  }
0x98: {  	_ =	strace $0x8FFFFFFF  }
0x99: {  	s19 =	sld [smem:$0x3FDB];
	_ =	sdelay $0x1  }
0x9a: {  	s5 =	simm.s32 $_scs_section_size  }
0x9b: {  	s6 =	simm.s32 $_size__tile_overlayer_lowered;
	s7 =	simm.s32 $_tile_overlayer_lowered  }
0x9c: {  	s22 =	simm.s32 $0x1BFF;
	s21 =	sshll.u32 s7, $0x1;
	s4 =	sadd.s32 s5, s19  }
0x9d: {  	s8 =	simm.s32 $0x0;
	s20 =	sshll.u32 s6, $0x1;
	s6 =	sadd.s32 s21, s4  }
0x9e: {  	[timem:s8], [sflag:s22] =	dma.local [hbm:s6], s20  }
0x9f: {  	_ =	swait.ge [sflag:s22], s20  }
0xa0: {  	s5 =	ssub.s32 $0x0, s20;
	[sflag:s22] =	ssyncset.done $0x0  }
0xa1: {  	[sflag:s22] =	ssyncadd.s32 s5;
	_ =	sdelay $0x1  }
0xa2: {  	s23 =	simm.s32 $0x1B8B  }
0xa3: {  	_ =	swait.ge [sflag:s23], $0x1  }
0xa4: {  	[sflag:s23] =	ssyncset.done $0x0  }
0xa5: {  	s25 =	simm.s32 $0x1B8E;
	s24 =	sld [smem:$0x3FFE];
	[sflag:s23] =	ssyncadd.s32 $0xFFFFFFFF  }
0xa6: {  	s26 =	simm.s32 $execute0_lowered;
	[smem:$0x3FD2] =	sst s25  }
0xa7: {  	s6 =	sshll.u32 s26, $0x1;
	_ =	strace $0x80000046;
	[dreg:$0x1] =	wrdreg $0xFFFFFFFF  }
0xa8: {  	s28 =	simm.s32 $_size_execute0_lowered;
	s4 =	sadd.s32 s4, s6;
	[dreg:$0x0] =	wrdreg $0x0  }
0xa9: {  	s6 =	sshll.u32 s28, $0x1;
	[dreg:$0x2] =	wrdreg s4  }
0xaa: {  	[dreg:$0x3] =	wrdreg s6  }
0xab: {  	[dreg:$0x4] =	wrdreg $0xC0  }
0xac: {  	_ =	task [dreg:s8], $0x5FFFF  }
0xad: {  	[dreg:$0x1] =	wrdreg $0xFFFFFFFF  }
0xae: {  	[dreg:$0x0] =	wrdreg $0x60  }
0xaf: {  	[dreg:$0x2] =	wrdreg s24  }
0xb0: {  	[dreg:$0x3] =	wrdreg s2  }
0xb1: {  	[dreg:$0x4] =	wrdreg s18  }
0xb2: {  	[dreg:$0x5] =	wrdreg $0x9  }
0xb3: {  	_ =	task.clear_ibuf [dreg:s8], $0x6FFFF;
	_ =	strace $0x90000046  }
0xb4: {  	s29 =	simm.s32 $0x9;
	_ =	strace $0x80000048  }
0xb5: {  	_ =	swait.ge [sflag:s29], $0x1  }
0xb6: {  	[sflag:s29] =	ssyncadd.s32 $0xFFFFFFFF  }
0xb7: {  	_ =	strace $0x90000048  }
0xb8: {  	_ =	sfence  }
0xb9: {  	s30 =	sld [smem:$0x0];
	_ =	sdelay $0x2  }
0xba: {  	s31 =	sshll.u32 s1, $0xD;
	s1 =	sshrl.u32 s1, $0x2  }
0xbb: {  	s3 =	sand.u32 $0x4000, s31;
	s1 =	sadd.s32 s1, s30  }
0xbc: {  	s0 =	sor.u32 s3, s0;
	s1 =	sshll.u32 s1, $0x11  }
0xbd: {  	s0 =	sor.u32 s1, s0  }
0xbe: {  	s0 =	sadd.s32 $0x8F2B, s0  }
0xbf: {  	[sflag:s0] =	ssyncadd.remote.s32 $0x1  }
0xc0: {  	_ =	sfence.sel $0xFFFF  }
0xc1: {  	[dreg:$0x0] =	wrdreg $0xFFFFFFFF;
	(pc) =	sbr.abs _section_cstart, $3  }
0xc2: {  	[dreg:$0x1] =	wrdreg $0xFFFFFFFF  }
0xc3: {  	_ =	task.clear_ibuf [dreg:s8], $0x2FFFF;
	_ =	strace $0x9FFFFFFF  }
0xc4: {  	(tm) =	ssettm $0x7FFFFFFF  }
0xc5: {  	_ =	shalt  }
tec
execute0_lowered:
.L_overlay_start_1:
0x0: {  	(tag) =	ssettag $0x1  }
0x1: {  	s0 =	rddreg [dreg:$0x0];
	s1 =	srdreg.scid  }
0x2: {  	s2 =	rddreg [dreg:$0x1];
	s7 =	stileid.u32  }
0x3: {  	s6 =	rddreg [dreg:$0x2];
	s3 =	simm.s32 $0x0;
	s11 =	simm.s32 $0x8C00  }
0x4: {  	s13 =	simm.s32 $0x9400;
	s14 =	simm.s32 $0x9C00;
	s15 =	simm.s32 $0xA400  }
0x5: {  	s16 =	simm.s32 $0xAC00;
	s17 =	simm.s32 $0xB400;
	[smem:$0x7FF] =	sst s3  }
0x6: {  	s18 =	simm.s32 $0xBC00;
	_ =	strace $0x80000047;
	[dreg:$0x5] =	wrdreg s11  }
0x7: {  	s19 =	simm.s32 $0xC400;
	s20 =	simm.s32 $0xCC00;
	[dreg:$0x6] =	wrdreg s13  }
0x8: {  	s21 =	simm.s32 $0xD400;
	s22 =	simm.s32 $0xDC00;
	[dreg:$0x7] =	wrdreg s14  }
0x9: {  	s23 =	simm.s32 $0xE400;
	s24 =	simm.s32 $0xEC00;
	[dreg:$0x8] =	wrdreg s15  }
0xa: {  	s25 =	simm.s32 $0xF400;
	s26 =	simm.s32 $0xFC00;
	[dreg:$0x9] =	wrdreg s16  }
0xb: {  	s28 =	simm.s32 $0x6C00;
	s29 =	simm.s32 $0x7400;
	[dreg:$0xa] =	wrdreg s17  }
0xc: {  	s30 =	simm.s32 $0x7C00;
	s31 =	simm.s32 $0x8400;
	[dreg:$0xb] =	wrdreg s18  }
0xd: {  	s1 =	sand.u32 $0x1, s1;
	s4 =	sshll.u32 s7, $0xB;
	[dreg:$0xc] =	wrdreg s19  }
0xe: {  	s10 =	sshll.u32 s7, $0x13;
	s7 =	sadd.s32 $0x300, s2;
	[dreg:$0xd] =	wrdreg s20  }
0xf: {  	s5 =	sshll.u32 s1, $0xA;
	s8 =	ssub.s32 $0x2, s1;
	[dreg:$0xe] =	wrdreg s21  }
0x10: {  	s1 =	sshll.u32 s1, $0x12;
	s11 =	sadd.s32 $0x700, s2;
	[dreg:$0xf] =	wrdreg s22  }
0x11: {  	s13 =	simm.s32 $0x3;
	s14 =	simm.s32 $0x400;
	[dreg:$0x10] =	wrdreg s23  }
0x12: {  	s21 =	simm.s32 $0x3C00;
	[dreg:$0x11] =	wrdreg s24;
	s22 =	simm.s32 $0x4400  }
0x13: {  	[dreg:$0x12] =	wrdreg s25;
	s23 =	simm.s32 $0x4C00;
	s24 =	simm.s32 $0x5400  }
0x14: {  	[dreg:$0x13] =	wrdreg s26;
	s25 =	simm.s32 $0x5C00;
	s26 =	simm.s32 $0x6400  }
0x15: {  	s15 =	simm.s32 $0x0;
	s4 =	sor.u32 s5, s4;
	s9 =	sshrl.u32 s8, $0x1  }
0x16: {  	s5 =	sadd.s32 $0x100, s2;
	s4 =	sshrl.u32 s4, $0x3;
	s12 =	ssub.s32 s8, s9  }
0x17: {  	s8 =	sadd.s32 $0x400, s2;
	s9 =	sadd.s32 $0x500, s2;
	s0 =	sadd.s32 s4, s0  }
0x18: {  	v2 =	vlaneseq.u32;
	s12 =	smax.u32 s12, $0x1;
	s4 =	sadd.s32 $0x400, s0;
	s0 =	sadd.s32 s10, s6  }
0x19: {  	vm0 =	vmmov $0xffff;
	v1 =	vshrl.u32 v2, $0x3;
	s6 =	sadd.s32 $0x200, s2;
	s10 =	sadd.s32 $0x600, s2;
	s0 =	sadd.s32 s1, s0  }
0x1a: {  	v0 =	vand.u32 $0x7, v2;
	v2 =	vor.u32 $0x8, v2;
	v1 =	vmul.u32 $0x8, v1;
	s1 =	simm.s32 $0x1;
	[dreg:$0x4] =	wrdreg s0;
	s0 =	simm.s32 $0x2  }
.LBB2_1:
0x1b: {  	[tilespmem:s3], [sflag:$0x3] =	stream.linear.gather [hbm4b:s4+s3], $0x400, $0x38;
	[tilespmem:$0x10400] =	vst v63  }
0x1c: {  	_ =	swait.ge [sflag:s13], $0x400  }
0x1d: {  	[sflag:s13] =	ssyncset.done $0x0  }
0x1e: {  	[sflag:s13] =	ssyncadd.s32 $0xFFFFFC00  }
0x1f: {  	v3 =	vld [tilespmem:$0x0];
	_ =	sdelay $0x4  }
0x20: {  	v4 =	vshll.u32 v3, $0x4  }
0x21: {  	v3 =	vand.u32 $0x7, v3;
	v4 =	vand.u32 $0xFFFFFF80, v4  }
0x22: {  	v3 =	vor.u32 v3, v4  }
0x23: {  	v4 =	vperm.xlane v3, v0;
	_ =	sdelay $0x1  }
0x24: {  	v4 =	vadd.s32 v1, v4;
	_ =	sdelay $0x4  }
0x25: {  	[tilespmem:s14], [sflag:$0x1] =	stream.indirect_vreg.gather [hbm4b:s2+s3], $0x80, v4, vm0, $0xb8;
	[tilespmem:$0x10400] =	vst v63  }
0x26: {  	s16 =	simm.s32 $0xC00  }
0x27: {  	[tilespmem:s16], [sflag:$0x1] =	stream.indirect_vreg.gather [hbm4b:s5+s3], $0x80, v4, vm0, $0xb8;
	[tilespmem:$0x10400] =	vst v63  }
0x28: {  	s20 =	simm.s32 $0x1400  }
0x29: {  	[tilespmem:s20], [sflag:$0x1] =	stream.indirect_vreg.gather [hbm4b:s6+s3], $0x80, v4, vm0, $0xb8;
	[tilespmem:$0x10400] =	vst v63  }
0x2a: {  	s17 =	simm.s32 $0x1C00  }
0x2b: {  	[tilespmem:s17], [sflag:$0x1] =	stream.indirect_vreg.gather [hbm4b:s7+s3], $0x80, v4, vm0, $0xb8;
	[tilespmem:$0x10400] =	vst v63  }
0x2c: {  	s18 =	simm.s32 $0x2400  }
0x2d: {  	[tilespmem:s18], [sflag:$0x1] =	stream.indirect_vreg.gather [hbm4b:s8+s3], $0x80, v4, vm0, $0xb8;
	[tilespmem:$0x10400] =	vst v63  }
0x2e: {  	s19 =	simm.s32 $0x2C00;
	v3 =	vperm.xlane v3, v2  }
0x2f: {  	[tilespmem:s19], [sflag:$0x1] =	stream.indirect_vreg.gather [hbm4b:s9+s3], $0x80, v4, vm0, $0xb8;
	[tilespmem:$0x10400] =	vst v63  }
0x30: {  	v3 =	vadd.s32 v1, v3;
	s20 =	simm.s32 $0x3400  }
0x31: {  	[tilespmem:s20], [sflag:$0x1] =	stream.indirect_vreg.gather [hbm4b:s10+s3], $0x80, v4, vm0, $0xb8;
	[tilespmem:$0x10400] =	vst v63  }
0x32: {  	_ = 	snop  }
0x33: {  	[tilespmem:s21], [sflag:$0x1] =	stream.indirect_vreg.gather [hbm4b:s11+s3], $0x80, v4, vm0, $0xb8;
	[tilespmem:$0x10400] =	vst v63  }
0x34: {  	_ = 	snop  }
0x35: {  	[tilespmem:s22], [sflag:$0x1] =	stream.indirect_vreg.gather [hbm4b:s2+s3], $0x80, v3, vm0, $0xb8;
	[tilespmem:$0x10400] =	vst v63  }
0x36: {  	_ = 	snop  }
0x37: {  	[tilespmem:s23], [sflag:$0x1] =	stream.indirect_vreg.gather [hbm4b:s5+s3], $0x80, v3, vm0, $0xb8;
	[tilespmem:$0x10400] =	vst v63  }
0x38: {  	_ = 	snop  }
0x39: {  	[tilespmem:s24], [sflag:$0x1] =	stream.indirect_vreg.gather [hbm4b:s6+s3], $0x80, v3, vm0, $0xb8;
	[tilespmem:$0x10400] =	vst v63  }
0x3a: {  	_ = 	snop  }
0x3b: {  	[tilespmem:s25], [sflag:$0x1] =	stream.indirect_vreg.gather [hbm4b:s7+s3], $0x80, v3, vm0, $0xb8;
	[tilespmem:$0x10400] =	vst v63  }
0x3c: {  	_ = 	snop  }
0x3d: {  	[tilespmem:s26], [sflag:$0x1] =	stream.indirect_vreg.gather [hbm4b:s8+s3], $0x80, v3, vm0, $0xb8;
	[tilespmem:$0x10400] =	vst v63  }
0x3e: {  	_ = 	snop  }
0x3f: {  	[tilespmem:s28], [sflag:$0x1] =	stream.indirect_vreg.gather [hbm4b:s9+s3], $0x80, v3, vm0, $0xb8;
	[tilespmem:$0x10400] =	vst v63  }
0x40: {  	_ = 	snop  }
0x41: {  	[tilespmem:s29], [sflag:$0x1] =	stream.indirect_vreg.gather [hbm4b:s10+s3], $0x80, v3, vm0, $0xb8;
	[tilespmem:$0x10400] =	vst v63  }
0x42: {  	s16 =	simm.s32 $0x20;
	s17 =	simm.s32 $0x0  }
0x43: {  	[tilespmem:s30], [sflag:$0x1] =	stream.indirect_vreg.gather [hbm4b:s11+s3], $0x80, v3, vm0, $0xb8;
	[tilespmem:$0x10400] =	vst v63  }
.LBB2_2:
0x44: {  	v3 =	vld [tilespmem:s16+$0xFFFFFFF0];
	_ =	sdelay $0x4  }
0x45: {  	v4 =	vshll.u32 v3, $0x4  }
0x46: {  	v3 =	vand.u32 $0x7, v3;
	v4 =	vand.u32 $0xFFFFFF80, v4  }
0x47: {  	v3 =	vor.u32 v3, v4  }
0x48: {  	v4 =	vperm.xlane v3, v0;
	_ =	sdelay $0x1  }
0x49: {  	v4 =	vadd.s32 v1, v4;
	_ =	sdelay $0x4  }
0x4a: {  	[tilespmem:s31], [sflag:$0x2] =	stream.indirect_vreg.gather [hbm4b:s2+s3], $0x80, v4, vm0, $0xb8;
	[tilespmem:$0x10400] =	vst v63  }
0x4b: {  	s18 =	rddreg [dreg:$0x5]  }
0x4c: {  	[tilespmem:s18], [sflag:$0x2] =	stream.indirect_vreg.gather [hbm4b:s5+s3], $0x80, v4, vm0, $0xb8;
	[tilespmem:$0x10400] =	vst v63  }
0x4d: {  	s19 =	rddreg [dreg:$0x6]  }
0x4e: {  	[tilespmem:s19], [sflag:$0x2] =	stream.indirect_vreg.gather [hbm4b:s6+s3], $0x80, v4, vm0, $0xb8;
	[tilespmem:$0x10400] =	vst v63  }
0x4f: {  	s20 =	rddreg [dreg:$0x7]  }
0x50: {  	[tilespmem:s20], [sflag:$0x2] =	stream.indirect_vreg.gather [hbm4b:s7+s3], $0x80, v4, vm0, $0xb8;
	[tilespmem:$0x10400] =	vst v63  }
0x51: {  	s19 =	rddreg [dreg:$0x8]  }
0x52: {  	[tilespmem:s19], [sflag:$0x2] =	stream.indirect_vreg.gather [hbm4b:s8+s3], $0x80, v4, vm0, $0xb8;
	[tilespmem:$0x10400] =	vst v63  }
0x53: {  	v3 =	vperm.xlane v3, v2;
	s20 =	rddreg [dreg:$0x9]  }
0x54: {  	[tilespmem:s20], [sflag:$0x2] =	stream.indirect_vreg.gather [hbm4b:s9+s3], $0x80, v4, vm0, $0xb8;
	[tilespmem:$0x10400] =	vst v63  }
0x55: {  	v3 =	vadd.s32 v1, v3;
	s19 =	rddreg [dreg:$0xa]  }
0x56: {  	[tilespmem:s19], [sflag:$0x2] =	stream.indirect_vreg.gather [hbm4b:s10+s3], $0x80, v4, vm0, $0xb8;
	[tilespmem:$0x10400] =	vst v63  }
0x57: {  	s20 =	rddreg [dreg:$0xb]  }
0x58: {  	[tilespmem:s20], [sflag:$0x2] =	stream.indirect_vreg.gather [hbm4b:s11+s3], $0x80, v4, vm0, $0xb8;
	[tilespmem:$0x10400] =	vst v63  }
0x59: {  	s19 =	rddreg [dreg:$0xc]  }
0x5a: {  	[tilespmem:s19], [sflag:$0x2] =	stream.indirect_vreg.gather [hbm4b:s2+s3], $0x80, v3, vm0, $0xb8;
	[tilespmem:$0x10400] =	vst v63  }
0x5b: {  	s20 =	rddreg [dreg:$0xd]  }
0x5c: {  	[tilespmem:s20], [sflag:$0x2] =	stream.indirect_vreg.gather [hbm4b:s5+s3], $0x80, v3, vm0, $0xb8;
	[tilespmem:$0x10400] =	vst v63  }
0x5d: {  	s19 =	rddreg [dreg:$0xe]  }
0x5e: {  	[tilespmem:s19], [sflag:$0x2] =	stream.indirect_vreg.gather [hbm4b:s6+s3], $0x80, v3, vm0, $0xb8;
	[tilespmem:$0x10400] =	vst v63  }
0x5f: {  	s20 =	rddreg [dreg:$0xf]  }
0x60: {  	[tilespmem:s20], [sflag:$0x2] =	stream.indirect_vreg.gather [hbm4b:s7+s3], $0x80, v3, vm0, $0xb8;
	[tilespmem:$0x10400] =	vst v63  }
0x61: {  	s19 =	rddreg [dreg:$0x10]  }
0x62: {  	[tilespmem:s19], [sflag:$0x2] =	stream.indirect_vreg.gather [hbm4b:s8+s3], $0x80, v3, vm0, $0xb8;
	[tilespmem:$0x10400] =	vst v63  }
0x63: {  	s20 =	rddreg [dreg:$0x11]  }
0x64: {  	[tilespmem:s20], [sflag:$0x2] =	stream.indirect_vreg.gather [hbm4b:s9+s3], $0x80, v3, vm0, $0xb8;
	[tilespmem:$0x10400] =	vst v63  }
0x65: {  	s19 =	rddreg [dreg:$0x12]  }
0x66: {  	[tilespmem:s19], [sflag:$0x2] =	stream.indirect_vreg.gather [hbm4b:s10+s3], $0x80, v3, vm0, $0xb8;
	[tilespmem:$0x10400] =	vst v63  }
0x67: {  	s20 =	rddreg [dreg:$0x13]  }
0x68: {  	[tilespmem:s20], [sflag:$0x2] =	stream.indirect_vreg.gather [hbm4b:s11+s3], $0x80, v3, vm0, $0xb8;
	[tilespmem:$0x10400] =	vst v63  }
0x69: {  	_ =	swait.ge [sflag:s1], $0x8000  }
0x6a: {  	s20 =	rddreg [dreg:$0x4];
	[sflag:s1] =	ssyncset.done $0x0  }
0x6b: {  	[sflag:s1] =	ssyncadd.s32 $0xFFFF8000;
	s18 =	sadd.s32 s17, s20  }
0x6c: {  	[hbm4b:s18+s3] =	stream.linear.scatter [tilespmem:s14], [sflag:$0x3], $0x8000, $0x38;
	[tilespmem:$0x10400] =	vst v63  }
0x6d: {  	_ =	swait.ge [sflag:s13], $0x8000  }
0x6e: {  	[sflag:s13] =	ssyncset.done $0x0  }
0x6f: {  	p0 =	seq.s32 s17, $0x3E000;
	[sflag:s13] =	ssyncadd.s32 $0xFFFF8000  }
0x70: {  	v3 =	vld @!p0 [tilespmem:s16+$0x0];
	_ =	sdelay $0x4  }
0x71: {  	v4 =	vshll.u32 @!p0 v3, $0x4  }
0x72: {  	v5 =	vlaneseq.u32 @!p0;
	v3 =	vand.u32 @!p0 $0x7, v3;
	v4 =	vand.u32 @!p0 $0xFFFFFF80, v4  }
0x73: {  	v6 =	vshrl.u32 @!p0 v5, $0x3;
	v3 =	vor.u32 @!p0 v3, v4;
	v4 =	vand.u32 @!p0 $0x7, v5  }
0x74: {  	v6 =	vmul.u32 @!p0 $0x8, v6;
	v4 =	vperm.xlane @!p0 v3, v4;
	_ =	sdelay $0x1  }
0x75: {  	v4 =	vadd.s32 @!p0 v6, v4;
	_ =	sdelay $0x3  }
0x76: {  	vm1 =	vmmov @!p0 $0xffff;
	s19 =	simm.s32 @!p0 $0x0;
	s20 =	simm.s32 @!p0 $0x400  }
0x77: {  	[tilespmem:s20], [sflag:$0x1] =	stream.indirect_vreg.gather @!p0 [hbm4b:s2+s19], $0x80, v4, vm1, $0xb8;
	[tilespmem:$0x10400] =	vst v63  }
0x78: {  	s20 =	simm.s32 @!p0 $0xC00  }
0x79: {  	[tilespmem:s20], [sflag:$0x1] =	stream.indirect_vreg.gather @!p0 [hbm4b:s5+s19], $0x80, v4, vm1, $0xb8;
	[tilespmem:$0x10400] =	vst v63  }
0x7a: {  	s20 =	simm.s32 @!p0 $0x1400  }
0x7b: {  	[tilespmem:s20], [sflag:$0x1] =	stream.indirect_vreg.gather @!p0 [hbm4b:s6+s19], $0x80, v4, vm1, $0xb8;
	[tilespmem:$0x10400] =	vst v63  }
0x7c: {  	s20 =	simm.s32 @!p0 $0x1C00  }
0x7d: {  	[tilespmem:s20], [sflag:$0x1] =	stream.indirect_vreg.gather @!p0 [hbm4b:s7+s19], $0x80, v4, vm1, $0xb8;
	[tilespmem:$0x10400] =	vst v63  }
0x7e: {  	s20 =	simm.s32 @!p0 $0x2400  }
0x7f: {  	v5 =	vor.u32 @!p0 $0x8, v5;
	[tilespmem:s20], [sflag:$0x1] =	stream.indirect_vreg.gather @!p0 [hbm4b:s8+s19], $0x80, v4, vm1, $0xb8;
	[tilespmem:$0x10400] =	vst v63  }
0x80: {  	v3 =	vperm.xlane @!p0 v3, v5;
	s20 =	simm.s32 @!p0 $0x2C00  }
0x81: {  	[tilespmem:s20], [sflag:$0x1] =	stream.indirect_vreg.gather @!p0 [hbm4b:s9+s19], $0x80, v4, vm1, $0xb8;
	[tilespmem:$0x10400] =	vst v63  }
0x82: {  	v3 =	vadd.s32 @!p0 v6, v3;
	s20 =	simm.s32 @!p0 $0x3400  }
0x83: {  	[tilespmem:s20], [sflag:$0x1] =	stream.indirect_vreg.gather @!p0 [hbm4b:s10+s19], $0x80, v4, vm1, $0xb8;
	[tilespmem:$0x10400] =	vst v63  }
0x84: {  	s20 =	simm.s32 @!p0 $0x3C00  }
0x85: {  	[tilespmem:s20], [sflag:$0x1] =	stream.indirect_vreg.gather @!p0 [hbm4b:s11+s19], $0x80, v4, vm1, $0xb8;
	[tilespmem:$0x10400] =	vst v63  }
0x86: {  	s20 =	simm.s32 @!p0 $0x4400  }
0x87: {  	[tilespmem:s20], [sflag:$0x1] =	stream.indirect_vreg.gather @!p0 [hbm4b:s2+s19], $0x80, v3, vm1, $0xb8;
	[tilespmem:$0x10400] =	vst v63  }
0x88: {  	s20 =	simm.s32 @!p0 $0x4C00  }
0x89: {  	[tilespmem:s20], [sflag:$0x1] =	stream.indirect_vreg.gather @!p0 [hbm4b:s5+s19], $0x80, v3, vm1, $0xb8;
	[tilespmem:$0x10400] =	vst v63  }
0x8a: {  	s20 =	simm.s32 @!p0 $0x5400  }
0x8b: {  	[tilespmem:s20], [sflag:$0x1] =	stream.indirect_vreg.gather @!p0 [hbm4b:s6+s19], $0x80, v3, vm1, $0xb8;
	[tilespmem:$0x10400] =	vst v63  }
0x8c: {  	s20 =	simm.s32 @!p0 $0x5C00  }
0x8d: {  	[tilespmem:s20], [sflag:$0x1] =	stream.indirect_vreg.gather @!p0 [hbm4b:s7+s19], $0x80, v3, vm1, $0xb8;
	[tilespmem:$0x10400] =	vst v63  }
0x8e: {  	s20 =	simm.s32 @!p0 $0x6400  }
0x8f: {  	[tilespmem:s20], [sflag:$0x1] =	stream.indirect_vreg.gather @!p0 [hbm4b:s8+s19], $0x80, v3, vm1, $0xb8;
	[tilespmem:$0x10400] =	vst v63  }
0x90: {  	s20 =	simm.s32 @!p0 $0x6C00  }
0x91: {  	[tilespmem:s20], [sflag:$0x1] =	stream.indirect_vreg.gather @!p0 [hbm4b:s9+s19], $0x80, v3, vm1, $0xb8;
	[tilespmem:$0x10400] =	vst v63  }
0x92: {  	s20 =	simm.s32 @!p0 $0x7400  }
0x93: {  	[tilespmem:s20], [sflag:$0x1] =	stream.indirect_vreg.gather @!p0 [hbm4b:s10+s19], $0x80, v3, vm1, $0xb8;
	[tilespmem:$0x10400] =	vst v63  }
0x94: {  	s20 =	simm.s32 @!p0 $0x7C00  }
0x95: {  	[tilespmem:s20], [sflag:$0x1] =	stream.indirect_vreg.gather @!p0 [hbm4b:s11+s19], $0x80, v3, vm1, $0xb8;
	[tilespmem:$0x10400] =	vst v63  }
0x96: {  	s17 =	sadd.s32 $0x2000, s17;
	_ =	swait.ge [sflag:s0], $0x8000  }
0x97: {  	p0 =	sne.s32 s17, $0x40000;
	[sflag:s0] =	ssyncset.done $0x0  }
.Ltmp0:
0x98: {  	s18 =	sadd.s32 $0x1000, s18;
	[sflag:s0] =	ssyncadd.s32 $0xFFFF8000;
	(pc) =	sbr.rel @p0 .LBB2_2-.Ltmp0, $4  }
0x99: {  	[hbm4b:s18+s3] =	stream.linear.scatter [tilespmem:s31], [sflag:$0x3], $0x8000, $0x38;
	[tilespmem:$0x10400] =	vst v63  }
0x9a: {  	_ =	swait.ge [sflag:s13], $0x8000  }
0x9b: {  	[sflag:s13] =	ssyncset.done $0x0  }
0x9c: {  	s16 =	sadd.s32 $0x20, s16;
	[sflag:s13] =	ssyncadd.s32 $0xFFFF8000  }
0x9d: {  	s15 =	sadd.s32 $0x1, s15  }
0x9e: {  	p0 =	sne.s32 s15, s12  }
.Ltmp1:
0x9f: {  	_ = 	snop;
	(pc) =	sbr.rel @p0 .LBB2_1-.Ltmp1, $1  }
0xa0: {  	_ =	sdelay $0x3  }
0xa1: {  	_ =	sfence.sel $0x180000  }
0xa2: {  	[bflag:$0x0] =	sbarrier.arrive $0xFFFF  }
0xa3: {  	_ =	strace $0x90000047  }
0xa4: {  	s0 =	stileid.u32;
	[bflag:$0x2] =	sbarrier.arrive $0xFFFF  }
0xa5: {  	p0 =	sne.s32 s0, $0x0;
	s0 =	rddreg [dreg:$0x3]  }
0xa6: {  	s0 =	sadd.s32 @!p0 $0x100000, s0  }
0xa7: {  	[sflag:s0] =	ssyncadd.tile.s32 @!p0 $0x1;
	_ =	shalt  }
.Lfunc_end2:
_tile_overlayer_lowered:
.L_overlay_start_2:
0xa8: {  	(tag) =	ssettag $0x2  }
0xa9: {  	s0 =	rddreg [dreg:$0x0];
	s2 =	stileid.u32  }
0xaa: {  	s1 =	rddreg [dreg:$0x1];
	p0 =	sne.s32 s2, $0x0  }
0xab: {  	s3 =	rddreg [dreg:$0x2];
	[bflag:$0x3] =	sbarrier.arrive $0xFFFF;
	s2 =	simm.s32 @!p0 $0x1C03  }
0xac: {  	[timem:s3], [sflag:s2] =	dma.local @!p0 [hbm:s0], s1  }
0xad: {  	s0 =	simm.s32 @!p0 $0x3  }
0xae: {  	_ =	swait.ge @!p0 [sflag:s0], s1  }
0xaf: {  	s1 =	ssub.s32 @!p0 $0x0, s1;
	[sflag:s0] =	ssyncset.done @!p0 $0x0  }
0xb0: {  	[sflag:s0] =	ssyncadd.s32 @!p0 s1  }
0xb1: {  	[bflag:$0x3] =	sbarrier.arrive $0xFFFF  }
0xb2: {  	_ =	shalt  }

</sc_bundles>
